<compile_context>
chip_gen: v7x
topology: tpu7x:2x2x1
jax: 0.10.2.dev20260603
libtpu: 0.0.44.dev20260713+nightly
codegen_flags: <defaults>
</compile_context>

<pallas_src>
import functools
import jax
import jax.numpy as jnp
from jax import lax
from jax.experimental import pallas as pl
from jax.experimental.pallas import tpu as pltpu
from jax.experimental.pallas import tpu_sc as plsc

_ROW = 4096
_NC = 1
_NS = 16
_NW = _NC * _NS
_CHUNK = _ROW // _NW


def _sc_body(x_hbm, y_hbm, out_hbm, xv, yv, sv2, semx, semy):
    wid = lax.axis_index("s") * _NC + lax.axis_index("c")
    base = wid * _CHUNK
    cx = pltpu.async_copy(x_hbm.at[1, 0, pl.ds(base, _CHUNK)], xv, semx)
    cy = pltpu.async_copy(y_hbm.at[1, 0, pl.ds(base, _CHUNK)], yv, semy)
    cx.wait()
    cy.wait()
    for i in range(_CHUNK // 16):
        sl = pl.ds(i * 16, 16)
        s = xv[sl] + yv[sl]
        sv2[0, sl] = s
        sv2[1, sl] = s
    pltpu.sync_copy(sv2, out_hbm.at[:, pl.ds(base, _CHUNK)])


def kernel(x, y):
    mesh = plsc.VectorSubcoreMesh(
        core_axis_name="c", subcore_axis_name="s", num_cores=1
    )
    k = functools.partial(
        pl.kernel,
        mesh=mesh,
        out_type=jax.ShapeDtypeStruct((2, _ROW), jnp.float32),
        scratch_types=[
            pltpu.VMEM((_CHUNK,), jnp.float32),
            pltpu.VMEM((_CHUNK,), jnp.float32),
            pltpu.VMEM((2, _CHUNK), jnp.float32),
            pltpu.SemaphoreType.DMA,
            pltpu.SemaphoreType.DMA,
        ],
    )(_sc_body)
    return k(x, y)

# --- scband reference (transcript-rebuilt; emitter-appended) ---
"""Pipeline reference for scband-index-tensor-axis1-65953517797522 (READ-ONLY COPY).

The authoritative reference and input builder live on the scoring server;
editing this copy changes nothing except your own understanding.
"""

import jax, jax.numpy as jnp
import numpy as np


def setup_inputs(seed: int = 0) -> dict:
    key = jax.random.key(seed)
    k1, k2 = jax.random.split(key)
    x = jax.random.normal(k1, (2, 4096, 4096), dtype=jnp.float32)
    y = jax.random.normal(k2, (2, 4096, 4096), dtype=jnp.float32)
    return {"x": x, "y": y}


def reference(x, y):
    z = x + y
    idx = jnp.array([0, 0], dtype=jnp.int32)
    # z[1, [0, 0]] -> select batch row 1, then gather columns [0, 0] along axis 1
    return jnp.take(z[1], idx, axis=0)

if __name__ == "__main__":
    import jax
    _d = setup_inputs()
    print(jax.jit(kernel)(*tuple(_d.values())))

</pallas_src>

<mosaic_0001>
#map = affine_map<(d0, d1) -> (0, 0, 0)>
#map1 = affine_map<(d0, d1) -> (0, 0)>
module attributes {stable_mosaic.version = 14 : i64} {
  func.func @_sc_body(%arg0: i32, %arg1: i32, %arg2: memref<2x4096x4096xf32, #tpu.memory_space<hbm>>, %arg3: memref<2x4096x4096xf32, #tpu.memory_space<hbm>>, %arg4: memref<2x4096xf32, #tpu.memory_space<hbm>>, %arg5: memref<256xf32, #tpu.memory_space<vmem>>, %arg6: memref<256xf32, #tpu.memory_space<vmem>>, %arg7: memref<2x256xf32, #tpu.memory_space<vmem>>, %arg8: memref<!tpu.dma_semaphore, #tpu.memory_space<semaphore_mem>>, %arg9: memref<!tpu.dma_semaphore, #tpu.memory_space<semaphore_mem>>) attributes {dimension_semantics = [#tpu.dimension_semantics<core_parallel>, #tpu.dimension_semantics<subcore_parallel>], iteration_bounds = array<i64: 1, 16>, scalar_prefetch = 0 : i64, scratch_operands = 5 : i64, tpu.core_type = #tpu.core_type<sc_vector_subcore>, window_params = [{transform_indices = #map}, {transform_indices = #map}, {transform_indices = #map1}]} {
    %mul3A = arith.constant 1 : i32
    %mul3A_0 = arith.muli %arg1, %mul3A : i32
    %add3A = arith.addi %mul3A_0, %arg0 : i32
    %mul3A_1 = arith.constant 256 : i32
    %mul3A_2 = arith.muli %add3A, %mul3A_1 : i32
    %dma_start3A = arith.constant 1 : i32
    %dma_start3A_3 = arith.constant 0 : i32
    %dma_start3A_4 = tpu.memref_slice %arg2[%dma_start3A, %dma_start3A_3, %mul3A_2] : memref<2x4096x4096xf32, #tpu.memory_space<hbm>> -> memref<1x1x256xf32, #tpu.memory_space<hbm>>
    %dma_start3A_5 = tpu.memref_squeeze %dma_start3A_4 : memref<1x1x256xf32, #tpu.memory_space<hbm>> -> memref<256xf32, #tpu.memory_space<hbm>>
    %dma_start3A_6 = tpu.memref_slice %arg2[%dma_start3A, %dma_start3A_3, %mul3A_2] : memref<2x4096x4096xf32, #tpu.memory_space<hbm>> -> memref<1x1x256xf32, #tpu.memory_space<hbm>>
    %dma_start3A_7 = tpu.memref_squeeze %dma_start3A_6 : memref<1x1x256xf32, #tpu.memory_space<hbm>> -> memref<256xf32, #tpu.memory_space<hbm>>
    tpu.enqueue_dma source(%dma_start3A_7 : memref<256xf32, #tpu.memory_space<hbm>>) target(%arg5 : memref<256xf32, #tpu.memory_space<vmem>>) target_semaphore(%arg8 : memref<!tpu.dma_semaphore, #tpu.memory_space<semaphore_mem>>)
    %dma_start3A_8 = arith.constant 1 : i32
    %dma_start3A_9 = arith.constant 0 : i32
    %dma_start3A_10 = tpu.memref_slice %arg3[%dma_start3A_8, %dma_start3A_9, %mul3A_2] : memref<2x4096x4096xf32, #tpu.memory_space<hbm>> -> memref<1x1x256xf32, #tpu.memory_space<hbm>>
    %dma_start3A_11 = tpu.memref_squeeze %dma_start3A_10 : memref<1x1x256xf32, #tpu.memory_space<hbm>> -> memref<256xf32, #tpu.memory_space<hbm>>
    %dma_start3A_12 = tpu.memref_slice %arg3[%dma_start3A_8, %dma_start3A_9, %mul3A_2] : memref<2x4096x4096xf32, #tpu.memory_space<hbm>> -> memref<1x1x256xf32, #tpu.memory_space<hbm>>
    %dma_start3A_13 = tpu.memref_squeeze %dma_start3A_12 : memref<1x1x256xf32, #tpu.memory_space<hbm>> -> memref<256xf32, #tpu.memory_space<hbm>>
    tpu.enqueue_dma source(%dma_start3A_13 : memref<256xf32, #tpu.memory_space<hbm>>) target(%arg6 : memref<256xf32, #tpu.memory_space<vmem>>) target_semaphore(%arg9 : memref<!tpu.dma_semaphore, #tpu.memory_space<semaphore_mem>>)
    %dma_wait3A = arith.constant 1 : i32
    %dma_wait3A_14 = arith.constant 0 : i32
    %dma_wait3A_15 = tpu.memref_slice %arg2[%dma_wait3A, %dma_wait3A_14, %mul3A_2] : memref<2x4096x4096xf32, #tpu.memory_space<hbm>> -> memref<1x1x256xf32, #tpu.memory_space<hbm>>
    %dma_wait3A_16 = tpu.memref_squeeze %dma_wait3A_15 : memref<1x1x256xf32, #tpu.memory_space<hbm>> -> memref<256xf32, #tpu.memory_space<hbm>>
    %dma_wait3A_17 = tpu.memref_slice %arg2[%dma_wait3A, %dma_wait3A_14, %mul3A_2] : memref<2x4096x4096xf32, #tpu.memory_space<hbm>> -> memref<1x1x256xf32, #tpu.memory_space<hbm>>
    %dma_wait3A_18 = tpu.memref_squeeze %dma_wait3A_17 : memref<1x1x256xf32, #tpu.memory_space<hbm>> -> memref<256xf32, #tpu.memory_space<hbm>>
    tpu.wait_dma2 semaphore(%arg8 : memref<!tpu.dma_semaphore, #tpu.memory_space<semaphore_mem>>) src(%dma_wait3A_18 : memref<256xf32, #tpu.memory_space<hbm>>) dst(%arg5 : memref<256xf32, #tpu.memory_space<vmem>>)
    %dma_wait3A_19 = arith.constant 1 : i32
    %dma_wait3A_20 = arith.constant 0 : i32
    %dma_wait3A_21 = tpu.memref_slice %arg3[%dma_wait3A_19, %dma_wait3A_20, %mul3A_2] : memref<2x4096x4096xf32, #tpu.memory_space<hbm>> -> memref<1x1x256xf32, #tpu.memory_space<hbm>>
    %dma_wait3A_22 = tpu.memref_squeeze %dma_wait3A_21 : memref<1x1x256xf32, #tpu.memory_space<hbm>> -> memref<256xf32, #tpu.memory_space<hbm>>
    %dma_wait3A_23 = tpu.memref_slice %arg3[%dma_wait3A_19, %dma_wait3A_20, %mul3A_2] : memref<2x4096x4096xf32, #tpu.memory_space<hbm>> -> memref<1x1x256xf32, #tpu.memory_space<hbm>>
    %dma_wait3A_24 = tpu.memref_squeeze %dma_wait3A_23 : memref<1x1x256xf32, #tpu.memory_space<hbm>> -> memref<256xf32, #tpu.memory_space<hbm>>
    tpu.wait_dma2 semaphore(%arg9 : memref<!tpu.dma_semaphore, #tpu.memory_space<semaphore_mem>>) src(%dma_wait3A_24 : memref<256xf32, #tpu.memory_space<hbm>>) dst(%arg6 : memref<256xf32, #tpu.memory_space<vmem>>)
    %get3A = arith.constant 0 : index
    %get3A_25 = tpu.vector_load %arg5[%get3A] {strides = array<i32>} : memref<256xf32, #tpu.memory_space<vmem>>, vector<16xf32>,
    %get3A_26 = vector.shape_cast %get3A_25 : vector<16xf32> to vector<16xf32>
    %get3A_27 = arith.constant 0 : index
    %get3A_28 = tpu.vector_load %arg6[%get3A_27] {strides = array<i32>} : memref<256xf32, #tpu.memory_space<vmem>>, vector<16xf32>,
    %get3A_29 = vector.shape_cast %get3A_28 : vector<16xf32> to vector<16xf32>
    %add3A_30 = arith.addf %get3A_26, %get3A_29 : vector<16xf32>
    %swap3A = arith.constant 0 : i32
    %swap3A_31 = arith.index_cast %swap3A : i32 to index
    %swap3A_32 = arith.constant 0 : index
    %swap3A_33 = tpu.vector_load %arg7[%swap3A_31, %swap3A_32] {strides = array<i32>} : memref<2x256xf32, #tpu.memory_space<vmem>>, vector<1x16xf32>,
    %swap3A_34 = vector.shape_cast %swap3A_33 : vector<1x16xf32> to vector<16xf32>
    %swap3A_35 = vector.shape_cast %add3A_30 : vector<16xf32> to vector<1x16xf32>
    tpu.vector_store %arg7[%swap3A_31, %swap3A_32], %swap3A_35 {strides = array<i32>} : memref<2x256xf32, #tpu.memory_space<vmem>>, vector<1x16xf32>,
    %swap3A_36 = arith.constant 1 : i32
    %swap3A_37 = arith.index_cast %swap3A_36 : i32 to index
    %swap3A_38 = arith.constant 0 : index
    %swap3A_39 = tpu.vector_load %arg7[%swap3A_37, %swap3A_38] {strides = array<i32>} : memref<2x256xf32, #tpu.memory_space<vmem>>, vector<1x16xf32>,
    %swap3A_40 = vector.shape_cast %swap3A_39 : vector<1x16xf32> to vector<16xf32>
    %swap3A_41 = vector.shape_cast %add3A_30 : vector<16xf32> to vector<1x16xf32>
    tpu.vector_store %arg7[%swap3A_37, %swap3A_38], %swap3A_41 {strides = array<i32>} : memref<2x256xf32, #tpu.memory_space<vmem>>, vector<1x16xf32>,
    %get3A_42 = arith.constant 16 : index
    %get3A_43 = tpu.vector_load %arg5[%get3A_42] {strides = array<i32>} : memref<256xf32, #tpu.memory_space<vmem>>, vector<16xf32>,
    %get3A_44 = vector.shape_cast %get3A_43 : vector<16xf32> to vector<16xf32>
    %get3A_45 = arith.constant 16 : index
    %get3A_46 = tpu.vector_load %arg6[%get3A_45] {strides = array<i32>} : memref<256xf32, #tpu.memory_space<vmem>>, vector<16xf32>,
    %get3A_47 = vector.shape_cast %get3A_46 : vector<16xf32> to vector<16xf32>
    %add3A_48 = arith.addf %get3A_44, %get3A_47 : vector<16xf32>
    %swap3A_49 = arith.constant 0 : i32
    %swap3A_50 = arith.index_cast %swap3A_49 : i32 to index
    %swap3A_51 = arith.constant 16 : index
    %swap3A_52 = tpu.vector_load %arg7[%swap3A_50, %swap3A_51] {strides = array<i32>} : memref<2x256xf32, #tpu.memory_space<vmem>>, vector<1x16xf32>,
    %swap3A_53 = vector.shape_cast %swap3A_52 : vector<1x16xf32> to vector<16xf32>
    %swap3A_54 = vector.shape_cast %add3A_48 : vector<16xf32> to vector<1x16xf32>
    tpu.vector_store %arg7[%swap3A_50, %swap3A_51], %swap3A_54 {strides = array<i32>} : memref<2x256xf32, #tpu.memory_space<vmem>>, vector<1x16xf32>,
    %swap3A_55 = arith.constant 1 : i32
    %swap3A_56 = arith.index_cast %swap3A_55 : i32 to index
    %swap3A_57 = arith.constant 16 : index
    %swap3A_58 = tpu.vector_load %arg7[%swap3A_56, %swap3A_57] {strides = array<i32>} : memref<2x256xf32, #tpu.memory_space<vmem>>, vector<1x16xf32>,
    %swap3A_59 = vector.shape_cast %swap3A_58 : vector<1x16xf32> to vector<16xf32>
    %swap3A_60 = vector.shape_cast %add3A_48 : vector<16xf32> to vector<1x16xf32>
    tpu.vector_store %arg7[%swap3A_56, %swap3A_57], %swap3A_60 {strides = array<i32>} : memref<2x256xf32, #tpu.memory_space<vmem>>, vector<1x16xf32>,
    %get3A_61 = arith.constant 32 : index
    %get3A_62 = tpu.vector_load %arg5[%get3A_61] {strides = array<i32>} : memref<256xf32, #tpu.memory_space<vmem>>, vector<16xf32>,
    %get3A_63 = vector.shape_cast %get3A_62 : vector<16xf32> to vector<16xf32>
    %get3A_64 = arith.constant 32 : index
    %get3A_65 = tpu.vector_load %arg6[%get3A_64] {strides = array<i32>} : memref<256xf32, #tpu.memory_space<vmem>>, vector<16xf32>,
    %get3A_66 = vector.shape_cast %get3A_65 : vector<16xf32> to vector<16xf32>
    %add3A_67 = arith.addf %get3A_63, %get3A_66 : vector<16xf32>
    %swap3A_68 = arith.constant 0 : i32
    %swap3A_69 = arith.index_cast %swap3A_68 : i32 to index
    %swap3A_70 = arith.constant 32 : index
    %swap3A_71 = tpu.vector_load %arg7[%swap3A_69, %swap3A_70] {strides = array<i32>} : memref<2x256xf32, #tpu.memory_space<vmem>>, vector<1x16xf32>,
    %swap3A_72 = vector.shape_cast %swap3A_71 : vector<1x16xf32> to vector<16xf32>
    %swap3A_73 = vector.shape_cast %add3A_67 : vector<16xf32> to vector<1x16xf32>
    tpu.vector_store %arg7[%swap3A_69, %swap3A_70], %swap3A_73 {strides = array<i32>} : memref<2x256xf32, #tpu.memory_space<vmem>>, vector<1x16xf32>,
    %swap3A_74 = arith.constant 1 : i32
    %swap3A_75 = arith.index_cast %swap3A_74 : i32 to index
    %swap3A_76 = arith.constant 32 : index
    %swap3A_77 = tpu.vector_load %arg7[%swap3A_75, %swap3A_76] {strides = array<i32>} : memref<2x256xf32, #tpu.memory_space<vmem>>, vector<1x16xf32>,
    %swap3A_78 = vector.shape_cast %swap3A_77 : vector<1x16xf32> to vector<16xf32>
    %swap3A_79 = vector.shape_cast %add3A_67 : vector<16xf32> to vector<1x16xf32>
    tpu.vector_store %arg7[%swap3A_75, %swap3A_76], %swap3A_79 {strides = array<i32>} : memref<2x256xf32, #tpu.memory_space<vmem>>, vector<1x16xf32>,
    %get3A_80 = arith.constant 48 : index
    %get3A_81 = tpu.vector_load %arg5[%get3A_80] {strides = array<i32>} : memref<256xf32, #tpu.memory_space<vmem>>, vector<16xf32>,
    %get3A_82 = vector.shape_cast %get3A_81 : vector<16xf32> to vector<16xf32>
    %get3A_83 = arith.constant 48 : index
    %get3A_84 = tpu.vector_load %arg6[%get3A_83] {strides = array<i32>} : memref<256xf32, #tpu.memory_space<vmem>>, vector<16xf32>,
    %get3A_85 = vector.shape_cast %get3A_84 : vector<16xf32> to vector<16xf32>
    %add3A_86 = arith.addf %get3A_82, %get3A_85 : vector<16xf32>
    %swap3A_87 = arith.constant 0 : i32
    %swap3A_88 = arith.index_cast %swap3A_87 : i32 to index
    %swap3A_89 = arith.constant 48 : index
    %swap3A_90 = tpu.vector_load %arg7[%swap3A_88, %swap3A_89] {strides = array<i32>} : memref<2x256xf32, #tpu.memory_space<vmem>>, vector<1x16xf32>,
    %swap3A_91 = vector.shape_cast %swap3A_90 : vector<1x16xf32> to vector<16xf32>
    %swap3A_92 = vector.shape_cast %add3A_86 : vector<16xf32> to vector<1x16xf32>
    tpu.vector_store %arg7[%swap3A_88, %swap3A_89], %swap3A_92 {strides = array<i32>} : memref<2x256xf32, #tpu.memory_space<vmem>>, vector<1x16xf32>,
    %swap3A_93 = arith.constant 1 : i32
    %swap3A_94 = arith.index_cast %swap3A_93 : i32 to index
    %swap3A_95 = arith.constant 48 : index
    %swap3A_96 = tpu.vector_load %arg7[%swap3A_94, %swap3A_95] {strides = array<i32>} : memref<2x256xf32, #tpu.memory_space<vmem>>, vector<1x16xf32>,
    %swap3A_97 = vector.shape_cast %swap3A_96 : vector<1x16xf32> to vector<16xf32>
    %swap3A_98 = vector.shape_cast %add3A_86 : vector<16xf32> to vector<1x16xf32>
    tpu.vector_store %arg7[%swap3A_94, %swap3A_95], %swap3A_98 {strides = array<i32>} : memref<2x256xf32, #tpu.memory_space<vmem>>, vector<1x16xf32>,
    %get3A_99 = arith.constant 64 : index
    %get3A_100 = tpu.vector_load %arg5[%get3A_99] {strides = array<i32>} : memref<256xf32, #tpu.memory_space<vmem>>, vector<16xf32>,
    %get3A_101 = vector.shape_cast %get3A_100 : vector<16xf32> to vector<16xf32>
    %get3A_102 = arith.constant 64 : index
    %get3A_103 = tpu.vector_load %arg6[%get3A_102] {strides = array<i32>} : memref<256xf32, #tpu.memory_space<vmem>>, vector<16xf32>,
    %get3A_104 = vector.shape_cast %get3A_103 : vector<16xf32> to vector<16xf32>
    %add3A_105 = arith.addf %get3A_101, %get3A_104 : vector<16xf32>
    %swap3A_106 = arith.constant 0 : i32
    %swap3A_107 = arith.index_cast %swap3A_106 : i32 to index
    %swap3A_108 = arith.constant 64 : index
    %swap3A_109 = tpu.vector_load %arg7[%swap3A_107, %swap3A_108] {strides = array<i32>} : memref<2x256xf32, #tpu.memory_space<vmem>>, vector<1x16xf32>,
    %swap3A_110 = vector.shape_cast %swap3A_109 : vector<1x16xf32> to vector<16xf32>
    %swap3A_111 = vector.shape_cast %add3A_105 : vector<16xf32> to vector<1x16xf32>
    tpu.vector_store %arg7[%swap3A_107, %swap3A_108], %swap3A_111 {strides = array<i32>} : memref<2x256xf32, #tpu.memory_space<vmem>>, vector<1x16xf32>,
    %swap3A_112 = arith.constant 1 : i32
    %swap3A_113 = arith.index_cast %swap3A_112 : i32 to index
    %swap3A_114 = arith.constant 64 : index
    %swap3A_115 = tpu.vector_load %arg7[%swap3A_113, %swap3A_114] {strides = array<i32>} : memref<2x256xf32, #tpu.memory_space<vmem>>, vector<1x16xf32>,
    %swap3A_116 = vector.shape_cast %swap3A_115 : vector<1x16xf32> to vector<16xf32>
    %swap3A_117 = vector.shape_cast %add3A_105 : vector<16xf32> to vector<1x16xf32>
    tpu.vector_store %arg7[%swap3A_113, %swap3A_114], %swap3A_117 {strides = array<i32>} : memref<2x256xf32, #tpu.memory_space<vmem>>, vector<1x16xf32>,
    %get3A_118 = arith.constant 80 : index
    %get3A_119 = tpu.vector_load %arg5[%get3A_118] {strides = array<i32>} : memref<256xf32, #tpu.memory_space<vmem>>, vector<16xf32>,
    %get3A_120 = vector.shape_cast %get3A_119 : vector<16xf32> to vector<16xf32>
    %get3A_121 = arith.constant 80 : index
    %get3A_122 = tpu.vector_load %arg6[%get3A_121] {strides = array<i32>} : memref<256xf32, #tpu.memory_space<vmem>>, vector<16xf32>,
    %get3A_123 = vector.shape_cast %get3A_122 : vector<16xf32> to vector<16xf32>
    %add3A_124 = arith.addf %get3A_120, %get3A_123 : vector<16xf32>
    %swap3A_125 = arith.constant 0 : i32
    %swap3A_126 = arith.index_cast %swap3A_125 : i32 to index
    %swap3A_127 = arith.constant 80 : index
    %swap3A_128 = tpu.vector_load %arg7[%swap3A_126, %swap3A_127] {strides = array<i32>} : memref<2x256xf32, #tpu.memory_space<vmem>>, vector<1x16xf32>,
    %swap3A_129 = vector.shape_cast %swap3A_128 : vector<1x16xf32> to vector<16xf32>
    %swap3A_130 = vector.shape_cast %add3A_124 : vector<16xf32> to vector<1x16xf32>
    tpu.vector_store %arg7[%swap3A_126, %swap3A_127], %swap3A_130 {strides = array<i32>} : memref<2x256xf32, #tpu.memory_space<vmem>>, vector<1x16xf32>,
    %swap3A_131 = arith.constant 1 : i32
    %swap3A_132 = arith.index_cast %swap3A_131 : i32 to index
    %swap3A_133 = arith.constant 80 : index
    %swap3A_134 = tpu.vector_load %arg7[%swap3A_132, %swap3A_133] {strides = array<i32>} : memref<2x256xf32, #tpu.memory_space<vmem>>, vector<1x16xf32>,
    %swap3A_135 = vector.shape_cast %swap3A_134 : vector<1x16xf32> to vector<16xf32>
    %swap3A_136 = vector.shape_cast %add3A_124 : vector<16xf32> to vector<1x16xf32>
    tpu.vector_store %arg7[%swap3A_132, %swap3A_133], %swap3A_136 {strides = array<i32>} : memref<2x256xf32, #tpu.memory_space<vmem>>, vector<1x16xf32>,
    %get3A_137 = arith.constant 96 : index
    %get3A_138 = tpu.vector_load %arg5[%get3A_137] {strides = array<i32>} : memref<256xf32, #tpu.memory_space<vmem>>, vector<16xf32>,
    %get3A_139 = vector.shape_cast %get3A_138 : vector<16xf32> to vector<16xf32>
    %get3A_140 = arith.constant 96 : index
    %get3A_141 = tpu.vector_load %arg6[%get3A_140] {strides = array<i32>} : memref<256xf32, #tpu.memory_space<vmem>>, vector<16xf32>,
    %get3A_142 = vector.shape_cast %get3A_141 : vector<16xf32> to vector<16xf32>
    %add3A_143 = arith.addf %get3A_139, %get3A_142 : vector<16xf32>
    %swap3A_144 = arith.constant 0 : i32
    %swap3A_145 = arith.index_cast %swap3A_144 : i32 to index
    %swap3A_146 = arith.constant 96 : index
    %swap3A_147 = tpu.vector_load %arg7[%swap3A_145, %swap3A_146] {strides = array<i32>} : memref<2x256xf32, #tpu.memory_space<vmem>>, vector<1x16xf32>,
    %swap3A_148 = vector.shape_cast %swap3A_147 : vector<1x16xf32> to vector<16xf32>
    %swap3A_149 = vector.shape_cast %add3A_143 : vector<16xf32> to vector<1x16xf32>
    tpu.vector_store %arg7[%swap3A_145, %swap3A_146], %swap3A_149 {strides = array<i32>} : memref<2x256xf32, #tpu.memory_space<vmem>>, vector<1x16xf32>,
    %swap3A_150 = arith.constant 1 : i32
    %swap3A_151 = arith.index_cast %swap3A_150 : i32 to index
    %swap3A_152 = arith.constant 96 : index
    %swap3A_153 = tpu.vector_load %arg7[%swap3A_151, %swap3A_152] {strides = array<i32>} : memref<2x256xf32, #tpu.memory_space<vmem>>, vector<1x16xf32>,
    %swap3A_154 = vector.shape_cast %swap3A_153 : vector<1x16xf32> to vector<16xf32>
    %swap3A_155 = vector.shape_cast %add3A_143 : vector<16xf32> to vector<1x16xf32>
    tpu.vector_store %arg7[%swap3A_151, %swap3A_152], %swap3A_155 {strides = array<i32>} : memref<2x256xf32, #tpu.memory_space<vmem>>, vector<1x16xf32>,
    %get3A_156 = arith.constant 112 : index
    %get3A_157 = tpu.vector_load %arg5[%get3A_156] {strides = array<i32>} : memref<256xf32, #tpu.memory_space<vmem>>, vector<16xf32>,
    %get3A_158 = vector.shape_cast %get3A_157 : vector<16xf32> to vector<16xf32>
    %get3A_159 = arith.constant 112 : index
    %get3A_160 = tpu.vector_load %arg6[%get3A_159] {strides = array<i32>} : memref<256xf32, #tpu.memory_space<vmem>>, vector<16xf32>,
    %get3A_161 = vector.shape_cast %get3A_160 : vector<16xf32> to vector<16xf32>
    %add3A_162 = arith.addf %get3A_158, %get3A_161 : vector<16xf32>
    %swap3A_163 = arith.constant 0 : i32
    %swap3A_164 = arith.index_cast %swap3A_163 : i32 to index
    %swap3A_165 = arith.constant 112 : index
    %swap3A_166 = tpu.vector_load %arg7[%swap3A_164, %swap3A_165] {strides = array<i32>} : memref<2x256xf32, #tpu.memory_space<vmem>>, vector<1x16xf32>,
    %swap3A_167 = vector.shape_cast %swap3A_166 : vector<1x16xf32> to vector<16xf32>
    %swap3A_168 = vector.shape_cast %add3A_162 : vector<16xf32> to vector<1x16xf32>
    tpu.vector_store %arg7[%swap3A_164, %swap3A_165], %swap3A_168 {strides = array<i32>} : memref<2x256xf32, #tpu.memory_space<vmem>>, vector<1x16xf32>,
    %swap3A_169 = arith.constant 1 : i32
    %swap3A_170 = arith.index_cast %swap3A_169 : i32 to index
    %swap3A_171 = arith.constant 112 : index
    %swap3A_172 = tpu.vector_load %arg7[%swap3A_170, %swap3A_171] {strides = array<i32>} : memref<2x256xf32, #tpu.memory_space<vmem>>, vector<1x16xf32>,
    %swap3A_173 = vector.shape_cast %swap3A_172 : vector<1x16xf32> to vector<16xf32>
    %swap3A_174 = vector.shape_cast %add3A_162 : vector<16xf32> to vector<1x16xf32>
    tpu.vector_store %arg7[%swap3A_170, %swap3A_171], %swap3A_174 {strides = array<i32>} : memref<2x256xf32, #tpu.memory_space<vmem>>, vector<1x16xf32>,
    %get3A_175 = arith.constant 128 : index
    %get3A_176 = tpu.vector_load %arg5[%get3A_175] {strides = array<i32>} : memref<256xf32, #tpu.memory_space<vmem>>, vector<16xf32>,
    %get3A_177 = vector.shape_cast %get3A_176 : vector<16xf32> to vector<16xf32>
    %get3A_178 = arith.constant 128 : index
    %get3A_179 = tpu.vector_load %arg6[%get3A_178] {strides = array<i32>} : memref<256xf32, #tpu.memory_space<vmem>>, vector<16xf32>,
    %get3A_180 = vector.shape_cast %get3A_179 : vector<16xf32> to vector<16xf32>
    %add3A_181 = arith.addf %get3A_177, %get3A_180 : vector<16xf32>
    %swap3A_182 = arith.constant 0 : i32
    %swap3A_183 = arith.index_cast %swap3A_182 : i32 to index
    %swap3A_184 = arith.constant 128 : index
    %swap3A_185 = tpu.vector_load %arg7[%swap3A_183, %swap3A_184] {strides = array<i32>} : memref<2x256xf32, #tpu.memory_space<vmem>>, vector<1x16xf32>,
    %swap3A_186 = vector.shape_cast %swap3A_185 : vector<1x16xf32> to vector<16xf32>
    %swap3A_187 = vector.shape_cast %add3A_181 : vector<16xf32> to vector<1x16xf32>
    tpu.vector_store %arg7[%swap3A_183, %swap3A_184], %swap3A_187 {strides = array<i32>} : memref<2x256xf32, #tpu.memory_space<vmem>>, vector<1x16xf32>,
    %swap3A_188 = arith.constant 1 : i32
    %swap3A_189 = arith.index_cast %swap3A_188 : i32 to index
    %swap3A_190 = arith.constant 128 : index
    %swap3A_191 = tpu.vector_load %arg7[%swap3A_189, %swap3A_190] {strides = array<i32>} : memref<2x256xf32, #tpu.memory_space<vmem>>, vector<1x16xf32>,
    %swap3A_192 = vector.shape_cast %swap3A_191 : vector<1x16xf32> to vector<16xf32>
    %swap3A_193 = vector.shape_cast %add3A_181 : vector<16xf32> to vector<1x16xf32>
    tpu.vector_store %arg7[%swap3A_189, %swap3A_190], %swap3A_193 {strides = array<i32>} : memref<2x256xf32, #tpu.memory_space<vmem>>, vector<1x16xf32>,
    %get3A_194 = arith.constant 144 : index
    %get3A_195 = tpu.vector_load %arg5[%get3A_194] {strides = array<i32>} : memref<256xf32, #tpu.memory_space<vmem>>, vector<16xf32>,
    %get3A_196 = vector.shape_cast %get3A_195 : vector<16xf32> to vector<16xf32>
    %get3A_197 = arith.constant 144 : index
    %get3A_198 = tpu.vector_load %arg6[%get3A_197] {strides = array<i32>} : memref<256xf32, #tpu.memory_space<vmem>>, vector<16xf32>,
    %get3A_199 = vector.shape_cast %get3A_198 : vector<16xf32> to vector<16xf32>
    %add3A_200 = arith.addf %get3A_196, %get3A_199 : vector<16xf32>
    %swap3A_201 = arith.constant 0 : i32
    %swap3A_202 = arith.index_cast %swap3A_201 : i32 to index
    %swap3A_203 = arith.constant 144 : index
    %swap3A_204 = tpu.vector_load %arg7[%swap3A_202, %swap3A_203] {strides = array<i32>} : memref<2x256xf32, #tpu.memory_space<vmem>>, vector<1x16xf32>,
    %swap3A_205 = vector.shape_cast %swap3A_204 : vector<1x16xf32> to vector<16xf32>
    %swap3A_206 = vector.shape_cast %add3A_200 : vector<16xf32> to vector<1x16xf32>
    tpu.vector_store %arg7[%swap3A_202, %swap3A_203], %swap3A_206 {strides = array<i32>} : memref<2x256xf32, #tpu.memory_space<vmem>>, vector<1x16xf32>,
    %swap3A_207 = arith.constant 1 : i32
    %swap3A_208 = arith.index_cast %swap3A_207 : i32 to index
    %swap3A_209 = arith.constant 144 : index
    %swap3A_210 = tpu.vector_load %arg7[%swap3A_208, %swap3A_209] {strides = array<i32>} : memref<2x256xf32, #tpu.memory_space<vmem>>, vector<1x16xf32>,
    %swap3A_211 = vector.shape_cast %swap3A_210 : vector<1x16xf32> to vector<16xf32>
    %swap3A_212 = vector.shape_cast %add3A_200 : vector<16xf32> to vector<1x16xf32>
    tpu.vector_store %arg7[%swap3A_208, %swap3A_209], %swap3A_212 {strides = array<i32>} : memref<2x256xf32, #tpu.memory_space<vmem>>, vector<1x16xf32>,
    %get3A_213 = arith.constant 160 : index
    %get3A_214 = tpu.vector_load %arg5[%get3A_213] {strides = array<i32>} : memref<256xf32, #tpu.memory_space<vmem>>, vector<16xf32>,
    %get3A_215 = vector.shape_cast %get3A_214 : vector<16xf32> to vector<16xf32>
    %get3A_216 = arith.constant 160 : index
    %get3A_217 = tpu.vector_load %arg6[%get3A_216] {strides = array<i32>} : memref<256xf32, #tpu.memory_space<vmem>>, vector<16xf32>,
    %get3A_218 = vector.shape_cast %get3A_217 : vector<16xf32> to vector<16xf32>
    %add3A_219 = arith.addf %get3A_215, %get3A_218 : vector<16xf32>
    %swap3A_220 = arith.constant 0 : i32
    %swap3A_221 = arith.index_cast %swap3A_220 : i32 to index
    %swap3A_222 = arith.constant 160 : index
    %swap3A_223 = tpu.vector_load %arg7[%swap3A_221, %swap3A_222] {strides = array<i32>} : memref<2x256xf32, #tpu.memory_space<vmem>>, vector<1x16xf32>,
    %swap3A_224 = vector.shape_cast %swap3A_223 : vector<1x16xf32> to vector<16xf32>
    %swap3A_225 = vector.shape_cast %add3A_219 : vector<16xf32> to vector<1x16xf32>
    tpu.vector_store %arg7[%swap3A_221, %swap3A_222], %swap3A_225 {strides = array<i32>} : memref<2x256xf32, #tpu.memory_space<vmem>>, vector<1x16xf32>,
    %swap3A_226 = arith.constant 1 : i32
    %swap3A_227 = arith.index_cast %swap3A_226 : i32 to index
    %swap3A_228 = arith.constant 160 : index
    %swap3A_229 = tpu.vector_load %arg7[%swap3A_227, %swap3A_228] {strides = array<i32>} : memref<2x256xf32, #tpu.memory_space<vmem>>, vector<1x16xf32>,
    %swap3A_230 = vector.shape_cast %swap3A_229 : vector<1x16xf32> to vector<16xf32>
    %swap3A_231 = vector.shape_cast %add3A_219 : vector<16xf32> to vector<1x16xf32>
    tpu.vector_store %arg7[%swap3A_227, %swap3A_228], %swap3A_231 {strides = array<i32>} : memref<2x256xf32, #tpu.memory_space<vmem>>, vector<1x16xf32>,
    %get3A_232 = arith.constant 176 : index
    %get3A_233 = tpu.vector_load %arg5[%get3A_232] {strides = array<i32>} : memref<256xf32, #tpu.memory_space<vmem>>, vector<16xf32>,
    %get3A_234 = vector.shape_cast %get3A_233 : vector<16xf32> to vector<16xf32>
    %get3A_235 = arith.constant 176 : index
    %get3A_236 = tpu.vector_load %arg6[%get3A_235] {strides = array<i32>} : memref<256xf32, #tpu.memory_space<vmem>>, vector<16xf32>,
    %get3A_237 = vector.shape_cast %get3A_236 : vector<16xf32> to vector<16xf32>
    %add3A_238 = arith.addf %get3A_234, %get3A_237 : vector<16xf32>
    %swap3A_239 = arith.constant 0 : i32
    %swap3A_240 = arith.index_cast %swap3A_239 : i32 to index
    %swap3A_241 = arith.constant 176 : index
    %swap3A_242 = tpu.vector_load %arg7[%swap3A_240, %swap3A_241] {strides = array<i32>} : memref<2x256xf32, #tpu.memory_space<vmem>>, vector<1x16xf32>,
    %swap3A_243 = vector.shape_cast %swap3A_242 : vector<1x16xf32> to vector<16xf32>
    %swap3A_244 = vector.shape_cast %add3A_238 : vector<16xf32> to vector<1x16xf32>
    tpu.vector_store %arg7[%swap3A_240, %swap3A_241], %swap3A_244 {strides = array<i32>} : memref<2x256xf32, #tpu.memory_space<vmem>>, vector<1x16xf32>,
    %swap3A_245 = arith.constant 1 : i32
    %swap3A_246 = arith.index_cast %swap3A_245 : i32 to index
    %swap3A_247 = arith.constant 176 : index
    %swap3A_248 = tpu.vector_load %arg7[%swap3A_246, %swap3A_247] {strides = array<i32>} : memref<2x256xf32, #tpu.memory_space<vmem>>, vector<1x16xf32>,
    %swap3A_249 = vector.shape_cast %swap3A_248 : vector<1x16xf32> to vector<16xf32>
    %swap3A_250 = vector.shape_cast %add3A_238 : vector<16xf32> to vector<1x16xf32>
    tpu.vector_store %arg7[%swap3A_246, %swap3A_247], %swap3A_250 {strides = array<i32>} : memref<2x256xf32, #tpu.memory_space<vmem>>, vector<1x16xf32>,
    %get3A_251 = arith.constant 192 : index
    %get3A_252 = tpu.vector_load %arg5[%get3A_251] {strides = array<i32>} : memref<256xf32, #tpu.memory_space<vmem>>, vector<16xf32>,
    %get3A_253 = vector.shape_cast %get3A_252 : vector<16xf32> to vector<16xf32>
    %get3A_254 = arith.constant 192 : index
    %get3A_255 = tpu.vector_load %arg6[%get3A_254] {strides = array<i32>} : memref<256xf32, #tpu.memory_space<vmem>>, vector<16xf32>,
    %get3A_256 = vector.shape_cast %get3A_255 : vector<16xf32> to vector<16xf32>
    %add3A_257 = arith.addf %get3A_253, %get3A_256 : vector<16xf32>
    %swap3A_258 = arith.constant 0 : i32
    %swap3A_259 = arith.index_cast %swap3A_258 : i32 to index
    %swap3A_260 = arith.constant 192 : index
    %swap3A_261 = tpu.vector_load %arg7[%swap3A_259, %swap3A_260] {strides = array<i32>} : memref<2x256xf32, #tpu.memory_space<vmem>>, vector<1x16xf32>,
    %swap3A_262 = vector.shape_cast %swap3A_261 : vector<1x16xf32> to vector<16xf32>
    %swap3A_263 = vector.shape_cast %add3A_257 : vector<16xf32> to vector<1x16xf32>
    tpu.vector_store %arg7[%swap3A_259, %swap3A_260], %swap3A_263 {strides = array<i32>} : memref<2x256xf32, #tpu.memory_space<vmem>>, vector<1x16xf32>,
    %swap3A_264 = arith.constant 1 : i32
    %swap3A_265 = arith.index_cast %swap3A_264 : i32 to index
    %swap3A_266 = arith.constant 192 : index
    %swap3A_267 = tpu.vector_load %arg7[%swap3A_265, %swap3A_266] {strides = array<i32>} : memref<2x256xf32, #tpu.memory_space<vmem>>, vector<1x16xf32>,
    %swap3A_268 = vector.shape_cast %swap3A_267 : vector<1x16xf32> to vector<16xf32>
    %swap3A_269 = vector.shape_cast %add3A_257 : vector<16xf32> to vector<1x16xf32>
    tpu.vector_store %arg7[%swap3A_265, %swap3A_266], %swap3A_269 {strides = array<i32>} : memref<2x256xf32, #tpu.memory_space<vmem>>, vector<1x16xf32>,
    %get3A_270 = arith.constant 208 : index
    %get3A_271 = tpu.vector_load %arg5[%get3A_270] {strides = array<i32>} : memref<256xf32, #tpu.memory_space<vmem>>, vector<16xf32>,
    %get3A_272 = vector.shape_cast %get3A_271 : vector<16xf32> to vector<16xf32>
    %get3A_273 = arith.constant 208 : index
    %get3A_274 = tpu.vector_load %arg6[%get3A_273] {strides = array<i32>} : memref<256xf32, #tpu.memory_space<vmem>>, vector<16xf32>,
    %get3A_275 = vector.shape_cast %get3A_274 : vector<16xf32> to vector<16xf32>
    %add3A_276 = arith.addf %get3A_272, %get3A_275 : vector<16xf32>
    %swap3A_277 = arith.constant 0 : i32
    %swap3A_278 = arith.index_cast %swap3A_277 : i32 to index
    %swap3A_279 = arith.constant 208 : index
    %swap3A_280 = tpu.vector_load %arg7[%swap3A_278, %swap3A_279] {strides = array<i32>} : memref<2x256xf32, #tpu.memory_space<vmem>>, vector<1x16xf32>,
    %swap3A_281 = vector.shape_cast %swap3A_280 : vector<1x16xf32> to vector<16xf32>
    %swap3A_282 = vector.shape_cast %add3A_276 : vector<16xf32> to vector<1x16xf32>
    tpu.vector_store %arg7[%swap3A_278, %swap3A_279], %swap3A_282 {strides = array<i32>} : memref<2x256xf32, #tpu.memory_space<vmem>>, vector<1x16xf32>,
    %swap3A_283 = arith.constant 1 : i32
    %swap3A_284 = arith.index_cast %swap3A_283 : i32 to index
    %swap3A_285 = arith.constant 208 : index
    %swap3A_286 = tpu.vector_load %arg7[%swap3A_284, %swap3A_285] {strides = array<i32>} : memref<2x256xf32, #tpu.memory_space<vmem>>, vector<1x16xf32>,
    %swap3A_287 = vector.shape_cast %swap3A_286 : vector<1x16xf32> to vector<16xf32>
    %swap3A_288 = vector.shape_cast %add3A_276 : vector<16xf32> to vector<1x16xf32>
    tpu.vector_store %arg7[%swap3A_284, %swap3A_285], %swap3A_288 {strides = array<i32>} : memref<2x256xf32, #tpu.memory_space<vmem>>, vector<1x16xf32>,
    %get3A_289 = arith.constant 224 : index
    %get3A_290 = tpu.vector_load %arg5[%get3A_289] {strides = array<i32>} : memref<256xf32, #tpu.memory_space<vmem>>, vector<16xf32>,
    %get3A_291 = vector.shape_cast %get3A_290 : vector<16xf32> to vector<16xf32>
    %get3A_292 = arith.constant 224 : index
    %get3A_293 = tpu.vector_load %arg6[%get3A_292] {strides = array<i32>} : memref<256xf32, #tpu.memory_space<vmem>>, vector<16xf32>,
    %get3A_294 = vector.shape_cast %get3A_293 : vector<16xf32> to vector<16xf32>
    %add3A_295 = arith.addf %get3A_291, %get3A_294 : vector<16xf32>
    %swap3A_296 = arith.constant 0 : i32
    %swap3A_297 = arith.index_cast %swap3A_296 : i32 to index
    %swap3A_298 = arith.constant 224 : index
    %swap3A_299 = tpu.vector_load %arg7[%swap3A_297, %swap3A_298] {strides = array<i32>} : memref<2x256xf32, #tpu.memory_space<vmem>>, vector<1x16xf32>,
    %swap3A_300 = vector.shape_cast %swap3A_299 : vector<1x16xf32> to vector<16xf32>
    %swap3A_301 = vector.shape_cast %add3A_295 : vector<16xf32> to vector<1x16xf32>
    tpu.vector_store %arg7[%swap3A_297, %swap3A_298], %swap3A_301 {strides = array<i32>} : memref<2x256xf32, #tpu.memory_space<vmem>>, vector<1x16xf32>,
    %swap3A_302 = arith.constant 1 : i32
    %swap3A_303 = arith.index_cast %swap3A_302 : i32 to index
    %swap3A_304 = arith.constant 224 : index
    %swap3A_305 = tpu.vector_load %arg7[%swap3A_303, %swap3A_304] {strides = array<i32>} : memref<2x256xf32, #tpu.memory_space<vmem>>, vector<1x16xf32>,
    %swap3A_306 = vector.shape_cast %swap3A_305 : vector<1x16xf32> to vector<16xf32>
    %swap3A_307 = vector.shape_cast %add3A_295 : vector<16xf32> to vector<1x16xf32>
    tpu.vector_store %arg7[%swap3A_303, %swap3A_304], %swap3A_307 {strides = array<i32>} : memref<2x256xf32, #tpu.memory_space<vmem>>, vector<1x16xf32>,
    %get3A_308 = arith.constant 240 : index
    %get3A_309 = tpu.vector_load %arg5[%get3A_308] {strides = array<i32>} : memref<256xf32, #tpu.memory_space<vmem>>, vector<16xf32>,
    %get3A_310 = vector.shape_cast %get3A_309 : vector<16xf32> to vector<16xf32>
    %get3A_311 = arith.constant 240 : index
    %get3A_312 = tpu.vector_load %arg6[%get3A_311] {strides = array<i32>} : memref<256xf32, #tpu.memory_space<vmem>>, vector<16xf32>,
    %get3A_313 = vector.shape_cast %get3A_312 : vector<16xf32> to vector<16xf32>
    %add3A_314 = arith.addf %get3A_310, %get3A_313 : vector<16xf32>
    %swap3A_315 = arith.constant 0 : i32
    %swap3A_316 = arith.index_cast %swap3A_315 : i32 to index
    %swap3A_317 = arith.constant 240 : index
    %swap3A_318 = tpu.vector_load %arg7[%swap3A_316, %swap3A_317] {strides = array<i32>} : memref<2x256xf32, #tpu.memory_space<vmem>>, vector<1x16xf32>,
    %swap3A_319 = vector.shape_cast %swap3A_318 : vector<1x16xf32> to vector<16xf32>
    %swap3A_320 = vector.shape_cast %add3A_314 : vector<16xf32> to vector<1x16xf32>
    tpu.vector_store %arg7[%swap3A_316, %swap3A_317], %swap3A_320 {strides = array<i32>} : memref<2x256xf32, #tpu.memory_space<vmem>>, vector<1x16xf32>,
    %swap3A_321 = arith.constant 1 : i32
    %swap3A_322 = arith.index_cast %swap3A_321 : i32 to index
    %swap3A_323 = arith.constant 240 : index
    %swap3A_324 = tpu.vector_load %arg7[%swap3A_322, %swap3A_323] {strides = array<i32>} : memref<2x256xf32, #tpu.memory_space<vmem>>, vector<1x16xf32>,
    %swap3A_325 = vector.shape_cast %swap3A_324 : vector<1x16xf32> to vector<16xf32>
    %swap3A_326 = vector.shape_cast %add3A_314 : vector<16xf32> to vector<1x16xf32>
    tpu.vector_store %arg7[%swap3A_322, %swap3A_323], %swap3A_326 {strides = array<i32>} : memref<2x256xf32, #tpu.memory_space<vmem>>, vector<1x16xf32>,
    "tpu.region"() ({
      %run_scoped3A = tpu.sem_alloc : memref<!tpu.dma_semaphore, #tpu.memory_space<semaphore_mem>>
      %dma_start3A_327 = arith.constant 0 : i32
      %dma_start3A_328 = tpu.memref_slice %arg4[%dma_start3A_327, %mul3A_2] : memref<2x4096xf32, #tpu.memory_space<hbm>> -> memref<2x256xf32, #tpu.memory_space<hbm>>
      %dma_start3A_329 = arith.constant 0 : i32
      %dma_start3A_330 = tpu.memref_slice %arg4[%dma_start3A_329, %mul3A_2] : memref<2x4096xf32, #tpu.memory_space<hbm>> -> memref<2x256xf32, #tpu.memory_space<hbm>>
      tpu.enqueue_dma source(%arg7 : memref<2x256xf32, #tpu.memory_space<vmem>>) target(%dma_start3A_330 : memref<2x256xf32, #tpu.memory_space<hbm>>) target_semaphore(%run_scoped3A : memref<!tpu.dma_semaphore, #tpu.memory_space<semaphore_mem>>)
      %dma_wait3A_331 = arith.constant 0 : i32
      %dma_wait3A_332 = tpu.memref_slice %arg4[%dma_wait3A_331, %mul3A_2] : memref<2x4096xf32, #tpu.memory_space<hbm>> -> memref<2x256xf32, #tpu.memory_space<hbm>>
      %dma_wait3A_333 = arith.constant 0 : i32
      %dma_wait3A_334 = tpu.memref_slice %arg4[%dma_wait3A_333, %mul3A_2] : memref<2x4096xf32, #tpu.memory_space<hbm>> -> memref<2x256xf32, #tpu.memory_space<hbm>>
      tpu.wait_dma2 semaphore(%run_scoped3A : memref<!tpu.dma_semaphore, #tpu.memory_space<semaphore_mem>>) src(%arg7 : memref<2x256xf32, #tpu.memory_space<vmem>>) dst(%dma_wait3A_334 : memref<2x256xf32, #tpu.memory_space<hbm>>)
      tpu.yield
    }) : () -> ()
    return
  }
}

</mosaic_0001>

<sc_bundles>
// kernel: kernel.3.cloned.1.call-start
scs
__scs_entry_jumppad:
0x0: {  	(pc) =	sbr.rel $0x88, $3  }
0x1: {  	(tag) =	ssettag $0x0;
	lr =	simm.s32 $0x1  }
0x2: {  	[smem:$0x3F9F] =	sst lr;
	_ =	strace $0xD0000000  }
0x3: {  	_ = 	snop  }
0x4: {  	_ = 	snop  }
0x5: {  	_ = 	snop  }
0x6: {  	_ = 	snop  }
0x7: {  	_ = 	snop  }
__scs_overlays_trampoline_lowered:
0x8: {  	[smem:$0x3FAE] =	sst s0  }
0x9: {  	[smem:$0x3FAF] =	sst s1  }
0xa: {  	[smem:$0x3FB0] =	sst s2  }
0xb: {  	[smem:$0x3FB1] =	sst s3  }
0xc: {  	[smem:$0x3FB2] =	sst s4  }
0xd: {  	[smem:$0x3FB3] =	sst s5  }
0xe: {  	[smem:$0x3FB4] =	sst s6  }
0xf: {  	[smem:$0x3FB5] =	sst s7  }
0x10: {  	[smem:$0x3FB6] =	sst s8  }
0x11: {  	[smem:$0x3FB7] =	sst s9;
	s0 =	simm.s32 @!p0 $0x0  }
0x12: {  	s1 =	sld [smem:$0x3F9D];
	s0 =	simm.s32 @p0 $0x1  }
0x13: {  	[smem:$0x3FB8] =	sst s0;
	s0 =	simm.s32 @!p1 $0x0  }
0x14: {  	s2 =	sld [smem:$0x3F9C];
	s0 =	simm.s32 @p1 $0x1  }
0x15: {  	[smem:$0x3FB9] =	sst s0;
	s0 =	simm.s32 @!p2 $0x0  }
0x16: {  	s3 =	sld [smem:$0x3FDB];
	s0 =	simm.s32 @p2 $0x1  }
0x17: {  	s4 =	simm.s32 $0x1BF5;
	[smem:$0x3FBB] =	sst s0  }
0x18: {  	s0 =	sld [smem:$0x3F9E];
	_ =	swait.ge [sflag:s4], $0x0  }
0x19: {  	s7 =	sld [smem:$0x3F9F]  }
0x1a: {  	s8 =	sadd.s32 $0xFFFFE003, lr  }
0x1b: {  	s9 =	sadd.s32 $0xFFFFFEF7, lr;
	s5 =	simm.s32 $0xFFFFFFFF;
	p2 =	slt.u32 s8, $0xFFFFF086  }
0x1c: {  	p1 =	slt.u32 s9, $0xF7A;
	s5 =	simm.s32 @!p2 $0x0  }
0x1d: {  	s5 =	simm.s32 @p1 $0x1;
	p0 =	seq.s32 s7, s2  }
0x1e: {  	s7 =	smul.u32 @!p0 $0xF7A, s2;
	p2 =	seq.s32 @!p0 s5, $0x0  }
0x1f: {  	s9 =	smul.u32 $0xF7A, s1;
	s8 =	simm.s32 @!p0 $0x1BF5;
	p2 =	por !p2, p0  }
0x20: {  	[sflag:s8] =	ssyncset.s32 @!p0 $0xFFFFF086;
	s6 =	sadd.s32 @!p0 s3, s7;
	s7 =	simm.s32 @!p0 $0x108  }
0x21: {  	s3 =	sadd.s32 s3, s9;
	s6 =	sadd.s32 @!p0 $0x88, s6;
	s7 =	simm.s32 @p2 $0x1082  }
0x22: {  	[simem:s7], [sflag:s8] =	dma.local @!p0 [hbm:s6], $0xF7A  }
0x23: {  	s9 =	sor.u32 $0xD0000000, s2;
	s6 =	simm.s32 $0x108;
	_ =	swait.ge @!p0 [sflag:s8], $0x0  }
0x24: {  	s3 =	sadd.s32 $0x88, s3;
	s6 =	simm.s32 @!p1 $0x1082;
	[sflag:s4] =	ssyncset.s32 $0xFFFFF086  }
0x25: {  	[simem:s6], [sflag:s4] =	dma.local [hbm:s3], $0xF7A  }
0x26: {  	[smem:$0x3F9F] =	sst s1;
	(tag) =	ssettag s2;
	_ =	strace s9  }
0x27: {  	s1 =	sld [smem:$0x3FAF]  }
0x28: {  	s2 =	sld [smem:$0x3FB0]  }
0x29: {  	s4 =	sld [smem:$0x3FB2]  }
0x2a: {  	p0 =	seq.s32 s5, $0x0;
	s5 =	sld [smem:$0x3FB3]  }
0x2b: {  	s6 =	sld [smem:$0x3FB4]  }
0x2c: {  	s7 =	sld [smem:$0x3FB5]  }
0x2d: {  	s3 =	simm.s32 $0x108;
	s8 =	sld [smem:$0x3FB6]  }
0x2e: {  	s3 =	simm.s32 @!p0 $0x1082;
	s9 =	sld [smem:$0x3FB7]  }
0x2f: {  	lr =	sadd.s32 s0, s3;
	s0 =	sld [smem:$0x3FAE]  }
0x30: {  	s3 =	sld [smem:$0x3FB1]  }
0x31: {  	[smem:$0x3FBA] =	sst s10  }
0x32: {  	s10 =	sld [smem:$0x3FB8];
	_ =	sdelay $0x3  }
0x33: {  	p0 =	seq.s32 s10, $0x1;
	s10 =	sld [smem:$0x3FBA];
	_ =	sdelay $0x3  }
0x34: {  	[smem:$0x3FBA] =	sst s10  }
0x35: {  	s10 =	sld [smem:$0x3FB9];
	_ =	sdelay $0x3  }
0x36: {  	p1 =	seq.s32 s10, $0x1;
	s10 =	sld [smem:$0x3FBA];
	_ =	sdelay $0x3  }
0x37: {  	[smem:$0x3FBA] =	sst s10  }
0x38: {  	s10 =	sld [smem:$0x3FBB]  }
0x39: {  	_ = 	snop;
	(pc) =	sbr.ind lr, $3  }
0x3a: {  	_ = 	snop  }
0x3b: {  	_ = 	snop  }
0x3c: {  	p2 =	seq.s32 s10, $0x1;
	s10 =	sld [smem:$0x3FBA]  }
0x3d: {  	_ =	shalt  }
0x3e: {  	_ =	shalt  }
0x3f: {  	_ =	shalt  }
0x40: {  	_ =	shalt  }
0x41: {  	_ =	shalt  }
0x42: {  	_ =	shalt  }
0x43: {  	_ =	shalt  }
0x44: {  	_ =	shalt  }
0x45: {  	_ =	shalt  }
0x46: {  	_ =	shalt  }
0x47: {  	_ =	shalt  }
0x48: {  	_ =	shalt  }
0x49: {  	_ =	shalt  }
0x4a: {  	_ =	shalt  }
0x4b: {  	_ =	shalt  }
0x4c: {  	_ =	shalt  }
0x4d: {  	_ =	shalt  }
0x4e: {  	_ =	shalt  }
0x4f: {  	_ =	shalt  }
0x50: {  	_ =	shalt  }
0x51: {  	_ =	shalt  }
0x52: {  	_ =	shalt  }
0x53: {  	_ =	shalt  }
0x54: {  	_ =	shalt  }
0x55: {  	_ =	shalt  }
0x56: {  	_ =	shalt  }
0x57: {  	_ =	shalt  }
0x58: {  	_ =	shalt  }
0x59: {  	_ =	shalt  }
0x5a: {  	_ =	shalt  }
0x5b: {  	_ =	shalt  }
0x5c: {  	_ =	shalt  }
0x5d: {  	_ =	shalt  }
0x5e: {  	_ =	shalt  }
0x5f: {  	_ =	shalt  }
0x60: {  	_ =	shalt  }
0x61: {  	_ =	shalt  }
0x62: {  	_ =	shalt  }
0x63: {  	_ =	shalt  }
0x64: {  	_ =	shalt  }
0x65: {  	_ =	shalt  }
0x66: {  	_ =	shalt  }
0x67: {  	_ =	shalt  }
0x68: {  	_ =	shalt  }
0x69: {  	_ =	shalt  }
0x6a: {  	_ =	shalt  }
0x6b: {  	_ =	shalt  }
0x6c: {  	_ =	shalt  }
0x6d: {  	_ =	shalt  }
0x6e: {  	_ =	shalt  }
0x6f: {  	_ =	shalt  }
0x70: {  	_ =	shalt  }
0x71: {  	_ =	shalt  }
0x72: {  	_ =	shalt  }
0x73: {  	_ =	shalt  }
0x74: {  	_ =	shalt  }
0x75: {  	_ =	shalt  }
0x76: {  	_ =	shalt  }
0x77: {  	_ =	shalt  }
0x78: {  	_ =	shalt  }
0x79: {  	_ =	shalt  }
0x7a: {  	_ =	shalt  }
0x7b: {  	_ =	shalt  }
0x7c: {  	_ =	shalt  }
0x7d: {  	_ =	shalt  }
0x7e: {  	_ =	shalt  }
0x7f: {  	_ =	shalt  }
0x80: {  	_ =	shalt  }
0x81: {  	_ =	shalt  }
0x82: {  	_ =	shalt  }
0x83: {  	_ =	shalt  }
0x84: {  	_ =	shalt  }
0x85: {  	_ =	shalt  }
0x86: {  	_ =	shalt  }
0x87: {  	_ =	shalt  }
.Lfunc_end0:
.L_simem_size_0:
called_computation_lowered:
.L_overlay_start_0:
0x88: {  	s0 =	sld [smem:$0x3FD9]  }
0x89: {  	s1 =	sld [smem:$0x3FFE];
	_ =	sdelay $0x3  }
0x8a: {  	s0 =	sadd.s32 s1, s0  }
0x8b: {  	[smem:$0x3FC6] =	sst s0  }
0x8c: {  	_ = 	snop  }
0x8d: {  	s0 =	sld [smem:$0x3FC9]  }
0x8e: {  	s17 =	sld [smem:$0x3FC8]  }
0x8f: {  	s2 =	sld [smem:$0x3FD0];
	(tm) =	ssettm $0x1  }
0x90: {  	s3 =	sld [smem:$0x3FFB];
	_ =	sdelay $0x3  }
0x91: {  	_ =	strace s3  }
0x92: {  	s3 =	sld [smem:$0x3FFC];
	_ =	sdelay $0x3  }
0x93: {  	_ =	strace s3  }
0x94: {  	s3 =	sld [smem:$0x3FFD];
	_ =	sdelay $0x3  }
0x95: {  	_ =	strace s3  }
0x96: {  	_ =	strace $0x8FFFFFFF  }
0x97: {  	s18 =	sld [smem:$0x3FDB];
	_ =	sdelay $0x1  }
0x98: {  	s4 =	simm.s32 $_scs_section_size  }
0x99: {  	s5 =	simm.s32 $_size__tile_overlayer_lowered;
	s6 =	simm.s32 $_tile_overlayer_lowered  }
0x9a: {  	s21 =	simm.s32 $0x1BFF;
	s20 =	sshll.u32 s6, $0x1;
	s3 =	sadd.s32 s4, s18  }
0x9b: {  	s7 =	simm.s32 $0x0;
	s19 =	sshll.u32 s5, $0x1;
	s5 =	sadd.s32 s20, s3  }
0x9c: {  	[timem:s7], [sflag:s21] =	dma.local [hbm:s5], s19  }
0x9d: {  	_ =	swait.ge [sflag:s21], s19  }
0x9e: {  	s4 =	ssub.s32 $0x0, s19;
	[sflag:s21] =	ssyncset.done $0x0  }
0x9f: {  	[sflag:s21] =	ssyncadd.s32 s4;
	_ =	sdelay $0x1  }
0xa0: {  	s22 =	simm.s32 $0x1B8B  }
0xa1: {  	_ =	swait.ge [sflag:s22], $0x1  }
0xa2: {  	[sflag:s22] =	ssyncset.done $0x0  }
0xa3: {  	s23 =	simm.s32 $0x1B8E;
	[sflag:s22] =	ssyncadd.s32 $0xFFFFFFFF  }
0xa4: {  	s24 =	simm.s32 $execute0_lowered;
	[smem:$0x3FD2] =	sst s23  }
0xa5: {  	s4 =	sshll.u32 s24, $0x1;
	_ =	strace $0x80000046;
	[dreg:$0x1] =	wrdreg $0xFFFFFFFF  }
0xa6: {  	s25 =	simm.s32 $_size_execute0_lowered;
	s3 =	sadd.s32 s3, s4;
	[dreg:$0x0] =	wrdreg $0x0  }
0xa7: {  	s4 =	sshll.u32 s25, $0x1;
	[dreg:$0x2] =	wrdreg s3  }
0xa8: {  	[dreg:$0x3] =	wrdreg s4  }
0xa9: {  	[dreg:$0x4] =	wrdreg $0xC0  }
0xaa: {  	_ =	task [dreg:s7], $0x5FFFF  }
0xab: {  	[dreg:$0x1] =	wrdreg $0xFFFFFFFF  }
0xac: {  	[dreg:$0x0] =	wrdreg $0x60  }
0xad: {  	[dreg:$0x2] =	wrdreg s0  }
0xae: {  	[dreg:$0x3] =	wrdreg s17  }
0xaf: {  	[dreg:$0x4] =	wrdreg s2  }
0xb0: {  	[dreg:$0x5] =	wrdreg $0x9  }
0xb1: {  	_ =	task.clear_ibuf [dreg:s7], $0x6FFFF;
	_ =	strace $0x90000046  }
0xb2: {  	s26 =	simm.s32 $0x9;
	_ =	strace $0x80000048  }
0xb3: {  	_ =	swait.ge [sflag:s26], $0x1  }
0xb4: {  	[sflag:s26] =	ssyncadd.s32 $0xFFFFFFFF  }
0xb5: {  	_ =	strace $0x90000048  }
0xb6: {  	_ =	sfence  }
0xb7: {  	s28 =	sld [smem:$0x0];
	_ =	sdelay $0x1  }
0xb8: {  	s29 =	srdreg.scid  }
0xb9: {  	s30 =	sshll.u32 s29, $0xD;
	s31 =	sshrl.u32 s29, $0x2  }
0xba: {  	s1 =	sand.u32 $0x1, s29;
	s2 =	sand.u32 $0x4000, s30;
	s0 =	sadd.s32 s31, s28  }
0xbb: {  	s1 =	sor.u32 s2, s1;
	s0 =	sshll.u32 s0, $0x11  }
0xbc: {  	s0 =	sor.u32 s0, s1  }
0xbd: {  	s0 =	sadd.s32 $0x8F2B, s0  }
0xbe: {  	[sflag:s0] =	ssyncadd.remote.s32 $0x1  }
0xbf: {  	_ =	sfence.sel $0xFFFF  }
0xc0: {  	[dreg:$0x0] =	wrdreg $0xFFFFFFFF;
	(pc) =	sbr.abs _section_cstart, $3  }
0xc1: {  	[dreg:$0x1] =	wrdreg $0xFFFFFFFF  }
0xc2: {  	_ =	task.clear_ibuf [dreg:s7], $0x2FFFF;
	_ =	strace $0x9FFFFFFF  }
0xc3: {  	(tm) =	ssettm $0x7FFFFFFF  }
tec
execute0_lowered:
.L_overlay_start_1:
0x0: {  	(tag) =	ssettag $0x1  }
0x1: {  	s4 =	rddreg [dreg:$0x0]  }
0x2: {  	s5 =	rddreg [dreg:$0x1]  }
0x3: {  	s3 =	rddreg [dreg:$0x2];
	s1 =	stileid.u32  }
0x4: {  	s0 =	rddreg [dreg:$0x3];
	s2 =	simm.s32 $0x0;
	s6 =	sshll.u32 s1, $0x8  }
0x5: {  	s7 =	simm.s32 $0x80;
	[smem:$0x7FF] =	sst s2;
	s6 =	sor.u32 $0x200000, s6  }
0x6: {  	s8 =	simm.s32 $0x400;
	_ =	strace $0x80000047;
	s4 =	sadd.s32 s4, s6  }
0x7: {  	[tilespmem:s2], [sflag:$0x1] =	stream.strided.gather [hbm4b:s4+s7], $0x100, s8, s7, $0x38;
	[tilespmem:$0x400] =	vst v63  }
0x8: {  	s25 =	simm.s32 $0x100;
	s26 =	simm.s32 $0x1;
	s24 =	sadd.s32 s5, s6  }
0x9: {  	[tilespmem:s25], [sflag:$0x2] =	stream.strided.gather [hbm4b:s24+s7], $0x100, s8, s7, $0x38;
	[tilespmem:$0x400] =	vst v63  }
0xa: {  	_ =	swait.ge [sflag:s26], $0x100  }
0xb: {  	[sflag:s26] =	ssyncset.done $0x0  }
0xc: {  	s28 =	simm.s32 $0x2;
	[sflag:s26] =	ssyncadd.s32 $0xFFFFFF00  }
0xd: {  	_ =	swait.ge [sflag:s28], $0x100  }
0xe: {  	[sflag:s28] =	ssyncset.done $0x0  }
0xf: {  	[sflag:s28] =	ssyncadd.s32 $0xFFFFFF00  }
0x10: {  	v0 =	vld [tilespmem:$0x0]  }
0x11: {  	v1 =	vld [tilespmem:$0x100]  }
0x12: {  	v2 =	vld [tilespmem:$0x10]  }
0x13: {  	v3 =	vld [tilespmem:$0x110]  }
0x14: {  	v4 =	vld [tilespmem:$0x20]  }
0x15: {  	v5 =	vld [tilespmem:$0x120]  }
0x16: {  	v38 =	vld [tilespmem:$0x30];
	v0 =	vadd.f32 v1, v0  }
0x17: {  	v6 =	vld [tilespmem:$0x130]  }
0x18: {  	v51 =	vld [tilespmem:$0xA0];
	v2 =	vadd.f32 v3, v2;
	[tilespmem:$0x200] =	vst v0  }
0x19: {  	v52 =	vld [tilespmem:$0x1A0];
	[tilespmem:$0x280] =	vst v0  }
0x1a: {  	v59 =	vld [tilespmem:$0xE0];
	v4 =	vadd.f32 v5, v4;
	[tilespmem:$0x210] =	vst v2  }
0x1b: {  	v60 =	vld [tilespmem:$0x1E0];
	[tilespmem:$0x290] =	vst v2  }
0x1c: {  	v39 =	vld [tilespmem:$0x40];
	v1 =	vadd.f32 v6, v38;
	[tilespmem:$0x220] =	vst v4  }
0x1d: {  	v40 =	vld [tilespmem:$0x140];
	[tilespmem:$0x2A0] =	vst v4  }
0x1e: {  	v41 =	vld [tilespmem:$0x50];
	v3 =	vadd.f32 v52, v51;
	[tilespmem:$0x230] =	vst v1  }
0x1f: {  	v42 =	vld [tilespmem:$0x150];
	[tilespmem:$0x2B0] =	vst v1  }
0x20: {  	v43 =	vld [tilespmem:$0x60];
	v63 =	vadd.f32 v60, v59;
	[tilespmem:$0x320] =	vst v3  }
0x21: {  	v44 =	vld [tilespmem:$0x160];
	[tilespmem:$0x3A0] =	vst v3  }
0x22: {  	v45 =	vld [tilespmem:$0x70];
	v0 =	vadd.f32 v40, v39;
	[tilespmem:$0x360] =	vst v63  }
0x23: {  	v46 =	vld [tilespmem:$0x170];
	[tilespmem:$0x3E0] =	vst v63  }
0x24: {  	v47 =	vld [tilespmem:$0x80];
	v2 =	vadd.f32 v42, v41;
	[tilespmem:$0x240] =	vst v0  }
0x25: {  	v48 =	vld [tilespmem:$0x180];
	[tilespmem:$0x2C0] =	vst v0  }
0x26: {  	v49 =	vld [tilespmem:$0x90];
	v4 =	vadd.f32 v44, v43;
	[tilespmem:$0x250] =	vst v2  }
0x27: {  	v50 =	vld [tilespmem:$0x190];
	[tilespmem:$0x2D0] =	vst v2  }
0x28: {  	v53 =	vld [tilespmem:$0xB0];
	v1 =	vadd.f32 v46, v45;
	[tilespmem:$0x260] =	vst v4  }
0x29: {  	v54 =	vld [tilespmem:$0x1B0];
	[tilespmem:$0x2E0] =	vst v4  }
0x2a: {  	v55 =	vld [tilespmem:$0xC0];
	[tilespmem:$0x270] =	vst v1;
	v0 =	vadd.f32 v48, v47  }
0x2b: {  	v56 =	vld [tilespmem:$0x1C0];
	[tilespmem:$0x2F0] =	vst v1  }
0x2c: {  	v57 =	vld [tilespmem:$0xD0];
	v2 =	vadd.f32 v50, v49;
	[tilespmem:$0x300] =	vst v0  }
0x2d: {  	v58 =	vld [tilespmem:$0x1D0];
	[tilespmem:$0x380] =	vst v0  }
0x2e: {  	v61 =	vld [tilespmem:$0xF0];
	v1 =	vadd.f32 v54, v53;
	[tilespmem:$0x310] =	vst v2  }
0x2f: {  	v62 =	vld [tilespmem:$0x1F0];
	[tilespmem:$0x390] =	vst v2  }
0x30: {  	[tilespmem:$0x330] =	vst v1;
	v0 =	vadd.f32 v56, v55  }
0x31: {  	[tilespmem:$0x3B0] =	vst v1  }
0x32: {  	v2 =	vadd.f32 v58, v57;
	[tilespmem:$0x340] =	vst v0  }
0x33: {  	[tilespmem:$0x3C0] =	vst v0  }
0x34: {  	v1 =	vadd.f32 v62, v61;
	[tilespmem:$0x350] =	vst v2  }
0x35: {  	[tilespmem:$0x3D0] =	vst v2  }
0x36: {  	s29 =	sshll.u32 s1, $0x6;
	[tilespmem:$0x370] =	vst v1  }
0x37: {  	s30 =	simm.s32 $0x200;
	s31 =	simm.s32 $0x3;
	s3 =	sadd.s32 s3, s29;
	[tilespmem:$0x3F0] =	vst v1  }
0x38: {  	[hbm4b:s3+s2] =	stream.linear.scatter [tilespmem:s30], [sflag:$0x3], $0x200, $0x38;
	[tilespmem:$0x400] =	vst v63  }
0x39: {  	_ =	swait.ge [sflag:s31], $0x200  }
0x3a: {  	[sflag:s31] =	ssyncset.done $0x0  }
0x3b: {  	[sflag:s31] =	ssyncadd.s32 $0xFFFFFE00  }
0x3c: {  	_ =	sfence.sel $0x180000  }
0x3d: {  	[bflag:$0x0] =	sbarrier.arrive $0xFFFF  }
0x3e: {  	p0 =	sne.s32 s1, $0x0;
	_ =	strace $0x90000047  }
0x3f: {  	s0 =	sadd.s32 @!p0 $0x100000, s0;
	[bflag:$0x2] =	sbarrier.arrive $0xFFFF  }
0x40: {  	[sflag:s0] =	ssyncadd.tile.s32 @!p0 $0x1;
	_ =	shalt  }
.Lfunc_end2:
_tile_overlayer_lowered:
.L_overlay_start_2:
0x41: {  	(tag) =	ssettag $0x2  }
0x42: {  	s0 =	rddreg [dreg:$0x0];
	s2 =	stileid.u32  }
0x43: {  	s1 =	rddreg [dreg:$0x1];
	p0 =	sne.s32 s2, $0x0  }
0x44: {  	s3 =	rddreg [dreg:$0x2];
	[bflag:$0x3] =	sbarrier.arrive $0xFFFF;
	s2 =	simm.s32 @!p0 $0x1C03  }
0x45: {  	[timem:s3], [sflag:s2] =	dma.local @!p0 [hbm:s0], s1  }
0x46: {  	s0 =	simm.s32 @!p0 $0x3  }
0x47: {  	_ =	swait.ge @!p0 [sflag:s0], s1  }
0x48: {  	s1 =	ssub.s32 @!p0 $0x0, s1;
	[sflag:s0] =	ssyncset.done @!p0 $0x0  }
0x49: {  	[sflag:s0] =	ssyncadd.s32 @!p0 s1  }
0x4a: {  	[bflag:$0x3] =	sbarrier.arrive $0xFFFF  }
0x4b: {  	_ =	shalt  }

</sc_bundles>
